<compile_context>
chip_gen: v7x
topology: tpu7x:2x2x1
jax: 0.10.2.dev20260603
libtpu: 0.0.44.dev20260713+nightly
codegen_flags: <defaults>
</compile_context>

<pallas_src>
import functools

import jax
import jax.numpy as jnp
from jax import lax
from jax.experimental import pallas as pl
from jax.experimental.pallas import tpu as pltpu
from jax.experimental.pallas import tpu_sc as plsc

ROWS = 16384
NW = 16
NBLK = ROWS // 128
BLK_PER = NBLK // NW
IN_PER = BLK_PER * 256
OUT_PER = BLK_PER * 512

_WA_OFF = 1
_WB_OFF = 4
_B_OFF = 7
_EMB_OFF = 10


def _sc_body(x_hbm, p_hbm, out_hbm, xv, ov, pv, s0):
    wid = lax.axis_index("s")

    cp_x = pltpu.async_copy(x_hbm.at[pl.ds(wid * IN_PER, IN_PER)], xv, s0)
    pltpu.sync_copy(p_hbm, pv.at[pl.ds(0, 48)])

    zero = lax.iota(jnp.int32, 16) * 0
    wa, wb, cc = [], [], []
    for c in range(3):
        wa.append(plsc.load_gather(pv, [zero + (_WA_OFF + c)]))
        wb.append(plsc.load_gather(pv, [zero + (_WB_OFF + c)]))
        bc = plsc.load_gather(pv, [zero + (_B_OFF + c)])
        e0 = plsc.load_gather(pv, [zero + (_EMB_OFF + 10 * c)])
        cc.append(bc + e0)

    cp_x.wait()

    @plsc.parallel_loop(0, BLK_PER * 8, unroll=2)
    def body(i):
        kk = lax.shift_right_logical(i, 3)
        v = lax.bitwise_and(i, 7)
        in0 = 256 * kk + 16 * v
        o0 = 512 * kk + 16 * v
        av = xv[pl.ds(in0, 16)]
        bv = xv[pl.ds(in0 + 128, 16)]
        for c in range(3):
            ov[pl.ds(o0 + 128 * c, 16)] = av * wa[c] + bv * wb[c] + cc[c]

    pltpu.sync_copy(ov, out_hbm.at[pl.ds(wid * OUT_PER, OUT_PER)])


def _tc_pack(wt_ref, b_ref, embt_ref, o_ref):
    o_ref[pl.ds(0, 1)] = jnp.zeros((1,), jnp.float32)
    o_ref[pl.ds(_WA_OFF, 3)] = wt_ref[0]
    o_ref[pl.ds(_WB_OFF, 3)] = wt_ref[1]
    o_ref[pl.ds(_B_OFF, 3)] = b_ref[...]
    for c in range(3):
        o_ref[pl.ds(_EMB_OFF + 10 * c, 10)] = embt_ref[c]
    o_ref[pl.ds(40, 8)] = jnp.zeros((8,), jnp.float32)


@jax.jit
def kernel(x, W, b, emb):
    x1d = x.reshape(NBLK, 128, 2).transpose(0, 2, 1).reshape(-1)
    params = pl.pallas_call(
        _tc_pack,
        out_shape=jax.ShapeDtypeStruct((48,), jnp.float32),
    )(W.T, b, emb.T)
    mesh = plsc.VectorSubcoreMesh(
        core_axis_name="c", subcore_axis_name="s", num_cores=1
    )
    run = functools.partial(
        pl.kernel,
        mesh=mesh,
        out_type=jax.ShapeDtypeStruct((ROWS * 4,), jnp.float32),
        compiler_params=pltpu.CompilerParams(needs_layout_passes=False),
        scratch_types=[
            pltpu.VMEM((IN_PER,), jnp.float32),
            pltpu.VMEM((OUT_PER,), jnp.float32),
            pltpu.VMEM((128,), jnp.float32),
            pltpu.SemaphoreType.DMA,
        ],
    )(_sc_body)
    out1d = run(x1d, params)
    return out1d.reshape(NBLK, 4, 128)[:, :3, :].transpose(0, 2, 1).reshape(ROWS, 3)

# --- scband reference (transcript-rebuilt; emitter-appended) ---
"""Pipeline reference for scband-model-11879879541296 (READ-ONLY COPY).

The authoritative reference and input builder live on the scoring server;
editing this copy changes nothing except your own understanding.
"""

import jax, jax.numpy as jnp
import numpy as np


def setup_inputs(seed: int = 0) -> dict:
    key = jax.random.key(seed)
    k1, k2, k3, k4 = jax.random.split(key, 4)
    # forward input per input_specs
    x = jax.random.normal(k1, (16384, 2), dtype=jnp.float32)
    # learned parameters sized per the module definition:
    # nn.Linear(2, 3): weight [3, 2], bias [3]
    W = jax.random.normal(k2, (3, 2), dtype=jnp.float32) * 0.1
    b = jax.random.normal(k3, (3,), dtype=jnp.float32) * 0.1
    # nn.Embedding(10, 3): table [10, 3]
    emb = jax.random.normal(k4, (10, 3), dtype=jnp.float32)
    return {"x": x, "W": W, "b": b, "emb": emb}


def reference(x, W, b, emb):
    # Faithful translation of: self.net(x) + self.embedding(torch.tensor(0))
    # Linear: x @ W^T + b ; Embedding lookup of constant index 0 -> emb[0]
    lookup = jnp.take(emb, 0, axis=0)  # gather of row 0, shape [3]
    return x @ W.T + b + lookup

if __name__ == "__main__":
    import jax
    _d = setup_inputs()
    print(jax.jit(kernel)(*tuple(_d.values())))

</pallas_src>

<mosaic_0001>
#map = affine_map<(d0, d1) -> (0)>
module attributes {stable_mosaic.version = 14 : i64} {
  func.func @_sc_body(%arg0: i32, %arg1: i32, %arg2: memref<32768xf32, #tpu.memory_space<hbm>>, %arg3: memref<48xf32, #tpu.memory_space<hbm>>, %arg4: memref<65536xf32, #tpu.memory_space<hbm>>, %arg5: memref<2048xf32, #tpu.memory_space<vmem>>, %arg6: memref<4096xf32, #tpu.memory_space<vmem>>, %arg7: memref<128xf32, #tpu.memory_space<vmem>>, %arg8: memref<!tpu.dma_semaphore, #tpu.memory_space<semaphore_mem>>) attributes {dimension_semantics = [#tpu.dimension_semantics<core_parallel>, #tpu.dimension_semantics<subcore_parallel>], iteration_bounds = array<i64: 1, 16>, scalar_prefetch = 0 : i64, scratch_operands = 4 : i64, tpu.core_type = #tpu.core_type<sc_vector_subcore>, window_params = [{transform_indices = #map}, {transform_indices = #map}, {transform_indices = #map}]} {
    %mul3A = arith.constant 2048 : i32
    %mul3A_0 = arith.muli %arg1, %mul3A : i32
    %dma_start3A = tpu.memref_slice %arg2[%mul3A_0] : memref<32768xf32, #tpu.memory_space<hbm>> -> memref<2048xf32, #tpu.memory_space<hbm>>
    %dma_start3A_1 = tpu.memref_slice %arg2[%mul3A_0] : memref<32768xf32, #tpu.memory_space<hbm>> -> memref<2048xf32, #tpu.memory_space<hbm>>
    tpu.enqueue_dma source(%dma_start3A_1 : memref<2048xf32, #tpu.memory_space<hbm>>) target(%arg5 : memref<2048xf32, #tpu.memory_space<vmem>>) target_semaphore(%arg8 : memref<!tpu.dma_semaphore, #tpu.memory_space<semaphore_mem>>)
    "tpu.region"() ({
      %run_scoped3A = tpu.sem_alloc : memref<!tpu.dma_semaphore, #tpu.memory_space<semaphore_mem>>
      %dma_start3A_59 = arith.constant 0 : i32
      %dma_start3A_60 = tpu.memref_slice %arg7[%dma_start3A_59] : memref<128xf32, #tpu.memory_space<vmem>> -> memref<48xf32, #tpu.memory_space<vmem>>
      %dma_start3A_61 = arith.constant 0 : i32
      %dma_start3A_62 = tpu.memref_slice %arg7[%dma_start3A_61] : memref<128xf32, #tpu.memory_space<vmem>> -> memref<48xf32, #tpu.memory_space<vmem>>
      tpu.enqueue_dma source(%arg3 : memref<48xf32, #tpu.memory_space<hbm>>) target(%dma_start3A_62 : memref<48xf32, #tpu.memory_space<vmem>>) target_semaphore(%run_scoped3A : memref<!tpu.dma_semaphore, #tpu.memory_space<semaphore_mem>>)
      %dma_wait3A_63 = arith.constant 0 : i32
      %dma_wait3A_64 = tpu.memref_slice %arg7[%dma_wait3A_63] : memref<128xf32, #tpu.memory_space<vmem>> -> memref<48xf32, #tpu.memory_space<vmem>>
      %dma_wait3A_65 = arith.constant 0 : i32
      %dma_wait3A_66 = tpu.memref_slice %arg7[%dma_wait3A_65] : memref<128xf32, #tpu.memory_space<vmem>> -> memref<48xf32, #tpu.memory_space<vmem>>
      tpu.wait_dma2 semaphore(%run_scoped3A : memref<!tpu.dma_semaphore, #tpu.memory_space<semaphore_mem>>) src(%arg3 : memref<48xf32, #tpu.memory_space<hbm>>) dst(%dma_wait3A_66 : memref<48xf32, #tpu.memory_space<vmem>>)
      tpu.yield
    }) : () -> ()
    %iota3A = tpu.iota {dimensions = array<i32: 0>} : vector<16xi32>
    %mul3A_2 = arith.constant 0 : i32
    %mul3A_3 = vector.broadcast %mul3A_2 : i32 to vector<16xi32>
    %mul3A_4 = arith.muli %iota3A, %mul3A_3 : vector<16xi32>
    %add3A = arith.constant 1 : i32
    %add3A_5 = vector.broadcast %add3A : i32 to vector<16xi32>
    %add3A_6 = arith.addi %mul3A_4, %add3A_5 : vector<16xi32>
    %gather3A = tpu.vector_load_idx %arg7[%add3A_6] : memref<128xf32, #tpu.memory_space<vmem>>[vector<16xi32>], vector<16xf32>,
    %add3A_7 = arith.constant 4 : i32
    %add3A_8 = vector.broadcast %add3A_7 : i32 to vector<16xi32>
    %add3A_9 = arith.addi %mul3A_4, %add3A_8 : vector<16xi32>
    %gather3A_10 = tpu.vector_load_idx %arg7[%add3A_9] : memref<128xf32, #tpu.memory_space<vmem>>[vector<16xi32>], vector<16xf32>,
    %add3A_11 = arith.constant 7 : i32
    %add3A_12 = vector.broadcast %add3A_11 : i32 to vector<16xi32>
    %add3A_13 = arith.addi %mul3A_4, %add3A_12 : vector<16xi32>
    %gather3A_14 = tpu.vector_load_idx %arg7[%add3A_13] : memref<128xf32, #tpu.memory_space<vmem>>[vector<16xi32>], vector<16xf32>,
    %add3A_15 = arith.constant 10 : i32
    %add3A_16 = vector.broadcast %add3A_15 : i32 to vector<16xi32>
    %add3A_17 = arith.addi %mul3A_4, %add3A_16 : vector<16xi32>
    %gather3A_18 = tpu.vector_load_idx %arg7[%add3A_17] : memref<128xf32, #tpu.memory_space<vmem>>[vector<16xi32>], vector<16xf32>,
    %add3A_19 = arith.addf %gather3A_14, %gather3A_18 : vector<16xf32>
    %add3A_20 = arith.constant 2 : i32
    %add3A_21 = vector.broadcast %add3A_20 : i32 to vector<16xi32>
    %add3A_22 = arith.addi %mul3A_4, %add3A_21 : vector<16xi32>
    %gather3A_23 = tpu.vector_load_idx %arg7[%add3A_22] : memref<128xf32, #tpu.memory_space<vmem>>[vector<16xi32>], vector<16xf32>,
    %add3A_24 = arith.constant 5 : i32
    %add3A_25 = vector.broadcast %add3A_24 : i32 to vector<16xi32>
    %add3A_26 = arith.addi %mul3A_4, %add3A_25 : vector<16xi32>
    %gather3A_27 = tpu.vector_load_idx %arg7[%add3A_26] : memref<128xf32, #tpu.memory_space<vmem>>[vector<16xi32>], vector<16xf32>,
    %add3A_28 = arith.constant 8 : i32
    %add3A_29 = vector.broadcast %add3A_28 : i32 to vector<16xi32>
    %add3A_30 = arith.addi %mul3A_4, %add3A_29 : vector<16xi32>
    %gather3A_31 = tpu.vector_load_idx %arg7[%add3A_30] : memref<128xf32, #tpu.memory_space<vmem>>[vector<16xi32>], vector<16xf32>,
    %add3A_32 = arith.constant 20 : i32
    %add3A_33 = vector.broadcast %add3A_32 : i32 to vector<16xi32>
    %add3A_34 = arith.addi %mul3A_4, %add3A_33 : vector<16xi32>
    %gather3A_35 = tpu.vector_load_idx %arg7[%add3A_34] : memref<128xf32, #tpu.memory_space<vmem>>[vector<16xi32>], vector<16xf32>,
    %add3A_36 = arith.addf %gather3A_31, %gather3A_35 : vector<16xf32>
    %add3A_37 = arith.constant 3 : i32
    %add3A_38 = vector.broadcast %add3A_37 : i32 to vector<16xi32>
    %add3A_39 = arith.addi %mul3A_4, %add3A_38 : vector<16xi32>
    %gather3A_40 = tpu.vector_load_idx %arg7[%add3A_39] : memref<128xf32, #tpu.memory_space<vmem>>[vector<16xi32>], vector<16xf32>,
    %add3A_41 = arith.constant 6 : i32
    %add3A_42 = vector.broadcast %add3A_41 : i32 to vector<16xi32>
    %add3A_43 = arith.addi %mul3A_4, %add3A_42 : vector<16xi32>
    %gather3A_44 = tpu.vector_load_idx %arg7[%add3A_43] : memref<128xf32, #tpu.memory_space<vmem>>[vector<16xi32>], vector<16xf32>,
    %add3A_45 = arith.constant 9 : i32
    %add3A_46 = vector.broadcast %add3A_45 : i32 to vector<16xi32>
    %add3A_47 = arith.addi %mul3A_4, %add3A_46 : vector<16xi32>
    %gather3A_48 = tpu.vector_load_idx %arg7[%add3A_47] : memref<128xf32, #tpu.memory_space<vmem>>[vector<16xi32>], vector<16xf32>,
    %add3A_49 = arith.constant 30 : i32
    %add3A_50 = vector.broadcast %add3A_49 : i32 to vector<16xi32>
    %add3A_51 = arith.addi %mul3A_4, %add3A_50 : vector<16xi32>
    %gather3A_52 = tpu.vector_load_idx %arg7[%add3A_51] : memref<128xf32, #tpu.memory_space<vmem>>[vector<16xi32>], vector<16xf32>,
    %add3A_53 = arith.addf %gather3A_48, %gather3A_52 : vector<16xf32>
    %dma_wait3A = tpu.memref_slice %arg2[%mul3A_0] : memref<32768xf32, #tpu.memory_space<hbm>> -> memref<2048xf32, #tpu.memory_space<hbm>>
    %dma_wait3A_54 = tpu.memref_slice %arg2[%mul3A_0] : memref<32768xf32, #tpu.memory_space<hbm>> -> memref<2048xf32, #tpu.memory_space<hbm>>
    tpu.wait_dma2 semaphore(%arg8 : memref<!tpu.dma_semaphore, #tpu.memory_space<semaphore_mem>>) src(%dma_wait3A_54 : memref<2048xf32, #tpu.memory_space<hbm>>) dst(%arg5 : memref<2048xf32, #tpu.memory_space<vmem>>)
    %parallel_loop3A = arith.constant 0 : i32
    %parallel_loop3A_55 = arith.constant 64 : i32
    %parallel_loop3A_56 = arith.constant 1 : i32
    scf.for %parallel_loop3A_59 = %parallel_loop3A to %parallel_loop3A_55 step %parallel_loop3A_56  : i32 {
      %parallel_loop3A_60 = arith.constant 3 : i32
      %parallel_loop3A_61 = arith.shrui %parallel_loop3A_59, %parallel_loop3A_60 : i32
      %parallel_loop3A_62 = arith.constant 7 : i32
      %parallel_loop3A_63 = arith.andi %parallel_loop3A_59, %parallel_loop3A_62 : i32
      %parallel_loop3A_64 = arith.constant 256 : i32
      %parallel_loop3A_65 = arith.muli %parallel_loop3A_64, %parallel_loop3A_61 : i32
      %parallel_loop3A_66 = arith.constant 16 : i32
      %parallel_loop3A_67 = arith.muli %parallel_loop3A_66, %parallel_loop3A_63 : i32
      %parallel_loop3A_68 = arith.addi %parallel_loop3A_65, %parallel_loop3A_67 : i32
      %parallel_loop3A_69 = arith.constant 512 : i32
      %parallel_loop3A_70 = arith.muli %parallel_loop3A_69, %parallel_loop3A_61 : i32
      %parallel_loop3A_71 = arith.constant 16 : i32
      %parallel_loop3A_72 = arith.muli %parallel_loop3A_71, %parallel_loop3A_63 : i32
      %parallel_loop3A_73 = arith.addi %parallel_loop3A_70, %parallel_loop3A_72 : i32
      %parallel_loop3A_74 = arith.index_cast %parallel_loop3A_68 : i32 to index
      %parallel_loop3A_75 = tpu.vector_load %arg5[%parallel_loop3A_74] {strides = array<i32>} : memref<2048xf32, #tpu.memory_space<vmem>>, vector<16xf32>,
      %parallel_loop3A_76 = arith.constant 128 : i32
      %parallel_loop3A_77 = arith.addi %parallel_loop3A_68, %parallel_loop3A_76 : i32
      %parallel_loop3A_78 = arith.index_cast %parallel_loop3A_77 : i32 to index
      %parallel_loop3A_79 = tpu.vector_load %arg5[%parallel_loop3A_78] {strides = array<i32>} : memref<2048xf32, #tpu.memory_space<vmem>>, vector<16xf32>,
      %parallel_loop3A_80 = arith.mulf %parallel_loop3A_75, %gather3A : vector<16xf32>
      %parallel_loop3A_81 = arith.mulf %parallel_loop3A_79, %gather3A_10 : vector<16xf32>
      %parallel_loop3A_82 = arith.addf %parallel_loop3A_80, %parallel_loop3A_81 : vector<16xf32>
      %parallel_loop3A_83 = arith.addf %parallel_loop3A_82, %add3A_19 : vector<16xf32>
      %parallel_loop3A_84 = arith.constant 0 : i32
      %parallel_loop3A_85 = arith.addi %parallel_loop3A_73, %parallel_loop3A_84 : i32
      %parallel_loop3A_86 = arith.index_cast %parallel_loop3A_85 : i32 to index
      %parallel_loop3A_87 = tpu.vector_load %arg6[%parallel_loop3A_86] {strides = array<i32>} : memref<4096xf32, #tpu.memory_space<vmem>>, vector<16xf32>,
      tpu.vector_store %arg6[%parallel_loop3A_86], %parallel_loop3A_83 {strides = array<i32>} : memref<4096xf32, #tpu.memory_space<vmem>>, vector<16xf32>,
      %parallel_loop3A_88 = arith.mulf %parallel_loop3A_75, %gather3A_23 : vector<16xf32>
      %parallel_loop3A_89 = arith.mulf %parallel_loop3A_79, %gather3A_27 : vector<16xf32>
      %parallel_loop3A_90 = arith.addf %parallel_loop3A_88, %parallel_loop3A_89 : vector<16xf32>
      %parallel_loop3A_91 = arith.addf %parallel_loop3A_90, %add3A_36 : vector<16xf32>
      %parallel_loop3A_92 = arith.constant 128 : i32
      %parallel_loop3A_93 = arith.addi %parallel_loop3A_73, %parallel_loop3A_92 : i32
      %parallel_loop3A_94 = arith.index_cast %parallel_loop3A_93 : i32 to index
      %parallel_loop3A_95 = tpu.vector_load %arg6[%parallel_loop3A_94] {strides = array<i32>} : memref<4096xf32, #tpu.memory_space<vmem>>, vector<16xf32>,
      tpu.vector_store %arg6[%parallel_loop3A_94], %parallel_loop3A_91 {strides = array<i32>} : memref<4096xf32, #tpu.memory_space<vmem>>, vector<16xf32>,
      %parallel_loop3A_96 = arith.mulf %parallel_loop3A_75, %gather3A_40 : vector<16xf32>
      %parallel_loop3A_97 = arith.mulf %parallel_loop3A_79, %gather3A_44 : vector<16xf32>
      %parallel_loop3A_98 = arith.addf %parallel_loop3A_96, %parallel_loop3A_97 : vector<16xf32>
      %parallel_loop3A_99 = arith.addf %parallel_loop3A_98, %add3A_53 : vector<16xf32>
      %parallel_loop3A_100 = arith.constant 256 : i32
      %parallel_loop3A_101 = arith.addi %parallel_loop3A_73, %parallel_loop3A_100 : i32
      %parallel_loop3A_102 = arith.index_cast %parallel_loop3A_101 : i32 to index
      %parallel_loop3A_103 = tpu.vector_load %arg6[%parallel_loop3A_102] {strides = array<i32>} : memref<4096xf32, #tpu.memory_space<vmem>>, vector<16xf32>,
      tpu.vector_store %arg6[%parallel_loop3A_102], %parallel_loop3A_99 {strides = array<i32>} : memref<4096xf32, #tpu.memory_space<vmem>>, vector<16xf32>,
    } {sc.loop_unroll_factor = 2 : i64, sc.parallel_access}
    %mul3A_57 = arith.constant 4096 : i32
    %mul3A_58 = arith.muli %arg1, %mul3A_57 : i32
    "tpu.region"() ({
      %run_scoped3A = tpu.sem_alloc : memref<!tpu.dma_semaphore, #tpu.memory_space<semaphore_mem>>
      %dma_start3A_59 = tpu.memref_slice %arg4[%mul3A_58] : memref<65536xf32, #tpu.memory_space<hbm>> -> memref<4096xf32, #tpu.memory_space<hbm>>
      %dma_start3A_60 = tpu.memref_slice %arg4[%mul3A_58] : memref<65536xf32, #tpu.memory_space<hbm>> -> memref<4096xf32, #tpu.memory_space<hbm>>
      tpu.enqueue_dma source(%arg6 : memref<4096xf32, #tpu.memory_space<vmem>>) target(%dma_start3A_60 : memref<4096xf32, #tpu.memory_space<hbm>>) target_semaphore(%run_scoped3A : memref<!tpu.dma_semaphore, #tpu.memory_space<semaphore_mem>>)
      %dma_wait3A_61 = tpu.memref_slice %arg4[%mul3A_58] : memref<65536xf32, #tpu.memory_space<hbm>> -> memref<4096xf32, #tpu.memory_space<hbm>>
      %dma_wait3A_62 = tpu.memref_slice %arg4[%mul3A_58] : memref<65536xf32, #tpu.memory_space<hbm>> -> memref<4096xf32, #tpu.memory_space<hbm>>
      tpu.wait_dma2 semaphore(%run_scoped3A : memref<!tpu.dma_semaphore, #tpu.memory_space<semaphore_mem>>) src(%arg6 : memref<4096xf32, #tpu.memory_space<vmem>>) dst(%dma_wait3A_62 : memref<4096xf32, #tpu.memory_space<hbm>>)
      tpu.yield
    }) : () -> ()
    return
  }
}

module attributes {stable_mosaic.version = 14 : i64} {
  func.func @_tc_pack(%arg0: memref<2x3xf32, #tpu.memory_space<vmem>>, %arg1: memref<3xf32, #tpu.memory_space<vmem>>, %arg2: memref<3x10xf32, #tpu.memory_space<vmem>>, %arg3: memref<48xf32, #tpu.memory_space<vmem>>) attributes {dimension_semantics = [], scalar_prefetch = 0 : i64, scratch_operands = 0 : i64, tpu.core_type = #tpu.core_type<tc>} {
    %broadcast_in_dim3A = arith.constant 0.000000e+00 : f32
    %broadcast_in_dim3A_0 = vector.broadcast %broadcast_in_dim3A : f32 to vector<1xf32>
    %swap3A = arith.constant 0 : index
    %swap3A_1 = vector.load %arg3[%swap3A] : memref<48xf32, #tpu.memory_space<vmem>>, vector<1xf32>
    tpu.vector_store %arg3[%swap3A], %broadcast_in_dim3A_0 {strides = array<i32>} : memref<48xf32, #tpu.memory_space<vmem>>, vector<1xf32>,
    %get3A = arith.constant 0 : index
    %get3A_2 = arith.constant 0 : index
    %get3A_3 = vector.load %arg0[%get3A, %get3A_2] : memref<2x3xf32, #tpu.memory_space<vmem>>, vector<1x3xf32>
    %get3A_4 = vector.shape_cast %get3A_3 : vector<1x3xf32> to vector<3xf32>
    %swap3A_5 = arith.constant 1 : index
    %swap3A_6 = vector.load %arg3[%swap3A_5] : memref<48xf32, #tpu.memory_space<vmem>>, vector<3xf32>
    tpu.vector_store %arg3[%swap3A_5], %get3A_4 {strides = array<i32>} : memref<48xf32, #tpu.memory_space<vmem>>, vector<3xf32>,
    %get3A_7 = arith.constant 1 : index
    %get3A_8 = arith.constant 0 : index
    %get3A_9 = vector.load %arg0[%get3A_7, %get3A_8] : memref<2x3xf32, #tpu.memory_space<vmem>>, vector<1x3xf32>
    %get3A_10 = vector.shape_cast %get3A_9 : vector<1x3xf32> to vector<3xf32>
    %swap3A_11 = arith.constant 4 : index
    %swap3A_12 = vector.load %arg3[%swap3A_11] : memref<48xf32, #tpu.memory_space<vmem>>, vector<3xf32>
    tpu.vector_store %arg3[%swap3A_11], %get3A_10 {strides = array<i32>} : memref<48xf32, #tpu.memory_space<vmem>>, vector<3xf32>,
    %get3A_13 = arith.constant 0 : index
    %get3A_14 = vector.load %arg1[%get3A_13] : memref<3xf32, #tpu.memory_space<vmem>>, vector<3xf32>
    %swap3A_15 = arith.constant 7 : index
    %swap3A_16 = vector.load %arg3[%swap3A_15] : memref<48xf32, #tpu.memory_space<vmem>>, vector<3xf32>
    tpu.vector_store %arg3[%swap3A_15], %get3A_14 {strides = array<i32>} : memref<48xf32, #tpu.memory_space<vmem>>, vector<3xf32>,
    %get3A_17 = arith.constant 0 : index
    %get3A_18 = arith.constant 0 : index
    %get3A_19 = vector.load %arg2[%get3A_17, %get3A_18] : memref<3x10xf32, #tpu.memory_space<vmem>>, vector<1x10xf32>
    %get3A_20 = vector.shape_cast %get3A_19 : vector<1x10xf32> to vector<10xf32>
    %swap3A_21 = arith.constant 10 : index
    %swap3A_22 = vector.load %arg3[%swap3A_21] : memref<48xf32, #tpu.memory_space<vmem>>, vector<10xf32>
    tpu.vector_store %arg3[%swap3A_21], %get3A_20 {strides = array<i32>} : memref<48xf32, #tpu.memory_space<vmem>>, vector<10xf32>,
    %get3A_23 = arith.constant 1 : index
    %get3A_24 = arith.constant 0 : index
    %get3A_25 = vector.load %arg2[%get3A_23, %get3A_24] : memref<3x10xf32, #tpu.memory_space<vmem>>, vector<1x10xf32>
    %get3A_26 = vector.shape_cast %get3A_25 : vector<1x10xf32> to vector<10xf32>
    %swap3A_27 = arith.constant 20 : index
    %swap3A_28 = vector.load %arg3[%swap3A_27] : memref<48xf32, #tpu.memory_space<vmem>>, vector<10xf32>
    tpu.vector_store %arg3[%swap3A_27], %get3A_26 {strides = array<i32>} : memref<48xf32, #tpu.memory_space<vmem>>, vector<10xf32>,
    %get3A_29 = arith.constant 2 : index
    %get3A_30 = arith.constant 0 : index
    %get3A_31 = vector.load %arg2[%get3A_29, %get3A_30] : memref<3x10xf32, #tpu.memory_space<vmem>>, vector<1x10xf32>
    %get3A_32 = vector.shape_cast %get3A_31 : vector<1x10xf32> to vector<10xf32>
    %swap3A_33 = arith.constant 30 : index
    %swap3A_34 = vector.load %arg3[%swap3A_33] : memref<48xf32, #tpu.memory_space<vmem>>, vector<10xf32>
    tpu.vector_store %arg3[%swap3A_33], %get3A_32 {strides = array<i32>} : memref<48xf32, #tpu.memory_space<vmem>>, vector<10xf32>,
    %broadcast_in_dim3A_35 = arith.constant 0.000000e+00 : f32
    %broadcast_in_dim3A_36 = vector.broadcast %broadcast_in_dim3A_35 : f32 to vector<8xf32>
    %swap3A_37 = arith.constant 40 : index
    %swap3A_38 = vector.load %arg3[%swap3A_37] : memref<48xf32, #tpu.memory_space<vmem>>, vector<8xf32>
    tpu.vector_store %arg3[%swap3A_37], %broadcast_in_dim3A_36 {strides = array<i32>} : memref<48xf32, #tpu.memory_space<vmem>>, vector<8xf32>,
    return
  }
}

</mosaic_0001>

<sc_bundles>
// kernel: kernel.4.cloned.1.call-start
scs
__scs_entry_jumppad:
0x0: {  	(pc) =	sbr.rel $0x88, $3  }
0x1: {  	(tag) =	ssettag $0x0;
	lr =	simm.s32 $0x1  }
0x2: {  	[smem:$0x3F9D] =	sst lr;
	_ =	strace $0xD0000000  }
0x3: {  	_ = 	snop  }
0x4: {  	_ = 	snop  }
0x5: {  	_ = 	snop  }
0x6: {  	_ = 	snop  }
0x7: {  	_ = 	snop  }
__scs_overlays_trampoline_lowered:
0x8: {  	[smem:$0x3FAC] =	sst s0  }
0x9: {  	[smem:$0x3FAD] =	sst s1  }
0xa: {  	[smem:$0x3FAE] =	sst s2  }
0xb: {  	[smem:$0x3FAF] =	sst s3  }
0xc: {  	[smem:$0x3FB0] =	sst s4  }
0xd: {  	[smem:$0x3FB1] =	sst s5  }
0xe: {  	[smem:$0x3FB2] =	sst s6  }
0xf: {  	[smem:$0x3FB3] =	sst s7  }
0x10: {  	[smem:$0x3FB4] =	sst s8  }
0x11: {  	[smem:$0x3FB5] =	sst s9;
	s0 =	simm.s32 @!p0 $0x0  }
0x12: {  	s1 =	sld [smem:$0x3F9B];
	s0 =	simm.s32 @p0 $0x1  }
0x13: {  	[smem:$0x3FB6] =	sst s0;
	s0 =	simm.s32 @!p1 $0x0  }
0x14: {  	s2 =	sld [smem:$0x3F9A];
	s0 =	simm.s32 @p1 $0x1  }
0x15: {  	[smem:$0x3FB7] =	sst s0;
	s0 =	simm.s32 @!p2 $0x0  }
0x16: {  	s3 =	sld [smem:$0x3FDB];
	s0 =	simm.s32 @p2 $0x1  }
0x17: {  	s4 =	simm.s32 $0x1BF5;
	[smem:$0x3FB9] =	sst s0  }
0x18: {  	s0 =	sld [smem:$0x3F9C];
	_ =	swait.ge [sflag:s4], $0x0  }
0x19: {  	s7 =	sld [smem:$0x3F9D]  }
0x1a: {  	s8 =	sadd.s32 $0xFFFFE003, lr  }
0x1b: {  	s9 =	sadd.s32 $0xFFFFFEF7, lr;
	s5 =	simm.s32 $0xFFFFFFFF;
	p2 =	slt.u32 s8, $0xFFFFF086  }
0x1c: {  	p1 =	slt.u32 s9, $0xF7A;
	s5 =	simm.s32 @!p2 $0x0  }
0x1d: {  	s5 =	simm.s32 @p1 $0x1;
	p0 =	seq.s32 s7, s2  }
0x1e: {  	s7 =	smul.u32 @!p0 $0xF7A, s2;
	p2 =	seq.s32 @!p0 s5, $0x0  }
0x1f: {  	s9 =	smul.u32 $0xF7A, s1;
	s8 =	simm.s32 @!p0 $0x1BF5;
	p2 =	por !p2, p0  }
0x20: {  	[sflag:s8] =	ssyncset.s32 @!p0 $0xFFFFF086;
	s6 =	sadd.s32 @!p0 s3, s7;
	s7 =	simm.s32 @!p0 $0x108  }
0x21: {  	s3 =	sadd.s32 s3, s9;
	s6 =	sadd.s32 @!p0 $0x88, s6;
	s7 =	simm.s32 @p2 $0x1082  }
0x22: {  	[simem:s7], [sflag:s8] =	dma.local @!p0 [hbm:s6], $0xF7A  }
0x23: {  	s9 =	sor.u32 $0xD0000000, s2;
	s6 =	simm.s32 $0x108;
	_ =	swait.ge @!p0 [sflag:s8], $0x0  }
0x24: {  	s3 =	sadd.s32 $0x88, s3;
	s6 =	simm.s32 @!p1 $0x1082;
	[sflag:s4] =	ssyncset.s32 $0xFFFFF086  }
0x25: {  	[simem:s6], [sflag:s4] =	dma.local [hbm:s3], $0xF7A  }
0x26: {  	[smem:$0x3F9D] =	sst s1;
	(tag) =	ssettag s2;
	_ =	strace s9  }
0x27: {  	s1 =	sld [smem:$0x3FAD]  }
0x28: {  	s2 =	sld [smem:$0x3FAE]  }
0x29: {  	s4 =	sld [smem:$0x3FB0]  }
0x2a: {  	p0 =	seq.s32 s5, $0x0;
	s5 =	sld [smem:$0x3FB1]  }
0x2b: {  	s6 =	sld [smem:$0x3FB2]  }
0x2c: {  	s7 =	sld [smem:$0x3FB3]  }
0x2d: {  	s3 =	simm.s32 $0x108;
	s8 =	sld [smem:$0x3FB4]  }
0x2e: {  	s3 =	simm.s32 @!p0 $0x1082;
	s9 =	sld [smem:$0x3FB5]  }
0x2f: {  	lr =	sadd.s32 s0, s3;
	s0 =	sld [smem:$0x3FAC]  }
0x30: {  	s3 =	sld [smem:$0x3FAF]  }
0x31: {  	[smem:$0x3FB8] =	sst s10  }
0x32: {  	s10 =	sld [smem:$0x3FB6];
	_ =	sdelay $0x3  }
0x33: {  	p0 =	seq.s32 s10, $0x1;
	s10 =	sld [smem:$0x3FB8];
	_ =	sdelay $0x3  }
0x34: {  	[smem:$0x3FB8] =	sst s10  }
0x35: {  	s10 =	sld [smem:$0x3FB7];
	_ =	sdelay $0x3  }
0x36: {  	p1 =	seq.s32 s10, $0x1;
	s10 =	sld [smem:$0x3FB8];
	_ =	sdelay $0x3  }
0x37: {  	[smem:$0x3FB8] =	sst s10  }
0x38: {  	s10 =	sld [smem:$0x3FB9]  }
0x39: {  	_ = 	snop;
	(pc) =	sbr.ind lr, $3  }
0x3a: {  	_ = 	snop  }
0x3b: {  	_ = 	snop  }
0x3c: {  	p2 =	seq.s32 s10, $0x1;
	s10 =	sld [smem:$0x3FB8]  }
0x3d: {  	_ =	shalt  }
0x3e: {  	_ =	shalt  }
0x3f: {  	_ =	shalt  }
0x40: {  	_ =	shalt  }
0x41: {  	_ =	shalt  }
0x42: {  	_ =	shalt  }
0x43: {  	_ =	shalt  }
0x44: {  	_ =	shalt  }
0x45: {  	_ =	shalt  }
0x46: {  	_ =	shalt  }
0x47: {  	_ =	shalt  }
0x48: {  	_ =	shalt  }
0x49: {  	_ =	shalt  }
0x4a: {  	_ =	shalt  }
0x4b: {  	_ =	shalt  }
0x4c: {  	_ =	shalt  }
0x4d: {  	_ =	shalt  }
0x4e: {  	_ =	shalt  }
0x4f: {  	_ =	shalt  }
0x50: {  	_ =	shalt  }
0x51: {  	_ =	shalt  }
0x52: {  	_ =	shalt  }
0x53: {  	_ =	shalt  }
0x54: {  	_ =	shalt  }
0x55: {  	_ =	shalt  }
0x56: {  	_ =	shalt  }
0x57: {  	_ =	shalt  }
0x58: {  	_ =	shalt  }
0x59: {  	_ =	shalt  }
0x5a: {  	_ =	shalt  }
0x5b: {  	_ =	shalt  }
0x5c: {  	_ =	shalt  }
0x5d: {  	_ =	shalt  }
0x5e: {  	_ =	shalt  }
0x5f: {  	_ =	shalt  }
0x60: {  	_ =	shalt  }
0x61: {  	_ =	shalt  }
0x62: {  	_ =	shalt  }
0x63: {  	_ =	shalt  }
0x64: {  	_ =	shalt  }
0x65: {  	_ =	shalt  }
0x66: {  	_ =	shalt  }
0x67: {  	_ =	shalt  }
0x68: {  	_ =	shalt  }
0x69: {  	_ =	shalt  }
0x6a: {  	_ =	shalt  }
0x6b: {  	_ =	shalt  }
0x6c: {  	_ =	shalt  }
0x6d: {  	_ =	shalt  }
0x6e: {  	_ =	shalt  }
0x6f: {  	_ =	shalt  }
0x70: {  	_ =	shalt  }
0x71: {  	_ =	shalt  }
0x72: {  	_ =	shalt  }
0x73: {  	_ =	shalt  }
0x74: {  	_ =	shalt  }
0x75: {  	_ =	shalt  }
0x76: {  	_ =	shalt  }
0x77: {  	_ =	shalt  }
0x78: {  	_ =	shalt  }
0x79: {  	_ =	shalt  }
0x7a: {  	_ =	shalt  }
0x7b: {  	_ =	shalt  }
0x7c: {  	_ =	shalt  }
0x7d: {  	_ =	shalt  }
0x7e: {  	_ =	shalt  }
0x7f: {  	_ =	shalt  }
0x80: {  	_ =	shalt  }
0x81: {  	_ =	shalt  }
0x82: {  	_ =	shalt  }
0x83: {  	_ =	shalt  }
0x84: {  	_ =	shalt  }
0x85: {  	_ =	shalt  }
0x86: {  	_ =	shalt  }
0x87: {  	_ =	shalt  }
.Lfunc_end0:
.L_simem_size_0:
called_computation_lowered:
.L_overlay_start_0:
0x88: {  	s0 =	sld [smem:$0x3FD9]  }
0x89: {  	s1 =	sld [smem:$0x3FFE];
	_ =	sdelay $0x3  }
0x8a: {  	s0 =	sadd.s32 s1, s0  }
0x8b: {  	[smem:$0x3FC4] =	sst s0  }
0x8c: {  	_ = 	snop  }
0x8d: {  	s0 =	sld [smem:$0x3FC9]  }
0x8e: {  	s16 =	sld [smem:$0x3FD0];
	(tm) =	ssettm $0x1  }
0x8f: {  	s2 =	sld [smem:$0x3FFB];
	_ =	sdelay $0x3  }
0x90: {  	_ =	strace s2  }
0x91: {  	s2 =	sld [smem:$0x3FFC];
	_ =	sdelay $0x3  }
0x92: {  	_ =	strace s2  }
0x93: {  	s2 =	sld [smem:$0x3FFD];
	_ =	sdelay $0x3  }
0x94: {  	_ =	strace s2  }
0x95: {  	_ =	strace $0x8FFFFFFF  }
0x96: {  	s17 =	sld [smem:$0x3FDB];
	_ =	sdelay $0x1  }
0x97: {  	s3 =	simm.s32 $_scs_section_size  }
0x98: {  	s4 =	simm.s32 $_size__tile_overlayer_lowered;
	s5 =	simm.s32 $_tile_overlayer_lowered  }
0x99: {  	s20 =	simm.s32 $0x1BFF;
	s19 =	sshll.u32 s5, $0x1;
	s2 =	sadd.s32 s3, s17  }
0x9a: {  	s6 =	simm.s32 $0x0;
	s18 =	sshll.u32 s4, $0x1;
	s4 =	sadd.s32 s19, s2  }
0x9b: {  	[timem:s6], [sflag:s20] =	dma.local [hbm:s4], s18  }
0x9c: {  	_ =	swait.ge [sflag:s20], s18  }
0x9d: {  	s3 =	ssub.s32 $0x0, s18;
	[sflag:s20] =	ssyncset.done $0x0  }
0x9e: {  	[sflag:s20] =	ssyncadd.s32 s3;
	_ =	sdelay $0x1  }
0x9f: {  	s21 =	simm.s32 $0x1B8B  }
0xa0: {  	_ =	swait.ge [sflag:s21], $0x1  }
0xa1: {  	[sflag:s21] =	ssyncset.done $0x0  }
0xa2: {  	s23 =	simm.s32 $0x1B8E;
	s22 =	sld [smem:$0x3FFE];
	[sflag:s21] =	ssyncadd.s32 $0xFFFFFFFF  }
0xa3: {  	s24 =	simm.s32 $execute0_lowered;
	[smem:$0x3FD2] =	sst s23  }
0xa4: {  	s4 =	sshll.u32 s24, $0x1;
	_ =	strace $0x80000046;
	[dreg:$0x1] =	wrdreg $0xFFFFFFFF  }
0xa5: {  	s25 =	simm.s32 $_size_execute0_lowered;
	s2 =	sadd.s32 s2, s4;
	[dreg:$0x0] =	wrdreg $0x0  }
0xa6: {  	s4 =	sshll.u32 s25, $0x1;
	[dreg:$0x2] =	wrdreg s2  }
0xa7: {  	[dreg:$0x3] =	wrdreg s4  }
0xa8: {  	[dreg:$0x4] =	wrdreg $0xC0  }
0xa9: {  	_ =	task [dreg:s6], $0x5FFFF  }
0xaa: {  	[dreg:$0x1] =	wrdreg $0xFFFFFFFF  }
0xab: {  	[dreg:$0x0] =	wrdreg $0x60  }
0xac: {  	[dreg:$0x2] =	wrdreg s0  }
0xad: {  	[dreg:$0x3] =	wrdreg s16  }
0xae: {  	[dreg:$0x4] =	wrdreg s22  }
0xaf: {  	[dreg:$0x5] =	wrdreg $0x9  }
0xb0: {  	_ =	task.clear_ibuf [dreg:s6], $0x6FFFF;
	_ =	strace $0x90000046  }
0xb1: {  	s26 =	simm.s32 $0x9;
	_ =	strace $0x80000048  }
0xb2: {  	_ =	swait.ge [sflag:s26], $0x1  }
0xb3: {  	[sflag:s26] =	ssyncadd.s32 $0xFFFFFFFF  }
0xb4: {  	_ =	strace $0x90000048  }
0xb5: {  	_ =	sfence  }
0xb6: {  	s28 =	sld [smem:$0x0];
	_ =	sdelay $0x1  }
0xb7: {  	s29 =	srdreg.scid  }
0xb8: {  	s30 =	sshll.u32 s29, $0xD;
	s31 =	sshrl.u32 s29, $0x2  }
0xb9: {  	s1 =	sand.u32 $0x1, s29;
	s2 =	sand.u32 $0x4000, s30;
	s0 =	sadd.s32 s31, s28  }
0xba: {  	s1 =	sor.u32 s2, s1;
	s0 =	sshll.u32 s0, $0x11  }
0xbb: {  	s0 =	sor.u32 s0, s1  }
0xbc: {  	s0 =	sadd.s32 $0x8F2B, s0  }
0xbd: {  	[sflag:s0] =	ssyncadd.remote.s32 $0x1  }
0xbe: {  	_ =	sfence.sel $0xFFFF  }
0xbf: {  	[dreg:$0x0] =	wrdreg $0xFFFFFFFF;
	(pc) =	sbr.abs _section_cstart, $3  }
0xc0: {  	[dreg:$0x1] =	wrdreg $0xFFFFFFFF  }
0xc1: {  	_ =	task.clear_ibuf [dreg:s6], $0x2FFFF;
	_ =	strace $0x9FFFFFFF  }
0xc2: {  	(tm) =	ssettm $0x7FFFFFFF  }
0xc3: {  	_ =	shalt  }
tec
execute0_lowered:
.L_overlay_start_1:
0x0: {  	(tag) =	ssettag $0x1  }
0x1: {  	s2 =	rddreg [dreg:$0x0]  }
0x2: {  	s4 =	rddreg [dreg:$0x1]  }
0x3: {  	s3 =	rddreg [dreg:$0x2];
	s5 =	simm.s32 $0x0;
	s1 =	stileid.u32  }
0x4: {  	[smem:$0x7FF] =	sst s5;
	s6 =	sshll.u32 s1, $0x8  }
0x5: {  	s0 =	rddreg [dreg:$0x3];
	_ =	strace $0x80000047;
	s2 =	sadd.s32 s2, s6  }
0x6: {  	[tilespmem:s5], [sflag:$0x1] =	stream.linear.gather [hbm4b:s2+s5], $0x800, $0x38;
	[tilespmem:$0x1880] =	vst v63  }
0x7: {  	s23 =	simm.s32 $0x1800;
	v0 =	vimm.s32 $0x1;
	s24 =	simm.s32 $0x2  }
0x8: {  	v1 =	vimm.s32 $0x4;
	[tilespmem:s23], [sflag:$0x2] =	stream.linear.gather [hbm4b:s4+s5], $0x30, $0x38;
	[tilespmem:$0x1880] =	vst v63  }
0x9: {  	v3 =	vimm.s32 $0x7;
	_ =	swait.ge [sflag:s24], $0x30  }
0xa: {  	v4 =	vimm.s32 $0xA;
	[sflag:s24] =	ssyncset.done $0x0  }
0xb: {  	v5 =	vimm.s32 $0x2;
	[sflag:s24] =	ssyncadd.s32 $0xFFFFFFD0  }
0xc: {  	v6 =	vimm.s32 $0x5;
	v2 =	vld.idx.msk [tilespmem:v0+s23+$0x0], $0xffff  }
0xd: {  	v7 =	vimm.s32 $0x8;
	v0 =	vld.idx.msk [tilespmem:v1+s23+$0x0], $0xffff  }
0xe: {  	v8 =	vimm.s32 $0x14;
	v3 =	vld.idx.msk [tilespmem:v3+s23+$0x0], $0xffff  }
0xf: {  	v9 =	vld.idx.msk [tilespmem:v4+s23+$0x0], $0xffff;
	v4 =	vimm.s32 $0x3  }
0x10: {  	v10 =	vimm.s32 $0x6;
	v5 =	vld.idx.msk [tilespmem:v5+s23+$0x0], $0xffff  }
0x11: {  	v11 =	vimm.s32 $0x9;
	v1 =	vld.idx.msk [tilespmem:v6+s23+$0x0], $0xffff  }
0x12: {  	v12 =	vld.idx.msk [tilespmem:v7+s23+$0x0], $0xffff;
	v7 =	vimm.s32 $0x1E  }
0x13: {  	v8 =	vld.idx.msk [tilespmem:v8+s23+$0x0], $0xffff  }
0x14: {  	v6 =	vld.idx.msk [tilespmem:v4+s23+$0x0], $0xffff  }
0x15: {  	v4 =	vld.idx.msk [tilespmem:v10+s23+$0x0], $0xffff  }
0x16: {  	s25 =	simm.s32 $0x1;
	v10 =	vld.idx.msk [tilespmem:v11+s23+$0x0], $0xffff  }
0x17: {  	s26 =	simm.s32 $0x0;
	s8 =	sand.u32 $0x60, s5;
	v7 =	vld.idx.msk [tilespmem:v7+s23+$0x0], $0xffff;
	_ =	swait.ge [sflag:s25], $0x800  }
0x18: {  	s28 =	sor.u32 $0x10, s8;
	s4 =	sand.u32 $0x3FFFFF00, s26;
	[sflag:s25] =	ssyncset.done $0x0  }
0x19: {  	s29 =	sor.u32 s28, s4;
	[sflag:s25] =	ssyncadd.s32 $0xFFFFF800  }
0x1a: {  	v11 =	vld [tilespmem:s29+$0x0]  }
0x1b: {  	s4 =	sor.u32 s8, s4;
	v13 =	vld [tilespmem:s29+$0x80]  }
0x1c: {  	v14 =	vld [tilespmem:s4+$0x0]  }
0x1d: {  	v15 =	vld [tilespmem:s4+$0x80];
	_ =	sdelay $0x1  }
0x1e: {  	s5 =	simm.s32 $0x20;
	v17 =	vmul.f32 v11, v2  }
0x1f: {  	s30 =	simm.s32 $0x40;
	s2 =	sand.u32 $0x60, s5;
	v3 =	vadd.f32 v9, v3;
	v9 =	vmul.f32 v11, v6;
	v16 =	vmul.f32 v13, v4  }
0x20: {  	s7 =	sand.u32 $0x3FFFFF00, s30;
	s4 =	sor.u32 $0x10, s2;
	v7 =	vadd.f32 v7, v10;
	v18 =	vmul.f32 v11, v5;
	v10 =	vmul.f32 v14, v2  }
0x21: {  	s9 =	sor.u32 s4, s7;
	v19 =	vmul.f32 v14, v5;
	v20 =	vmul.f32 v15, v0;
	v9 =	vadd.f32 v16, v9  }
0x22: {  	s10 =	simm.s32 $0x0;
	v8 =	vadd.f32 v8, v12;
	v12 =	vmul.f32 v15, v1;
	v14 =	vmul.f32 v14, v6;
	v11 =	vld [tilespmem:s9+$0x0]  }
0x23: {  	s10 =	sand.u32 $0x3FFFFE00, s10;
	s11 =	sor.u32 s2, s7;
	v15 =	vmul.f32 v15, v4;
	v21 =	vmul.f32 v13, v0;
	v22 =	vadd.f32 v9, v7;
	v9 =	vld [tilespmem:s9+$0x80]  }
0x24: {  	s31 =	sadd.s32 $0x800, s10;
	v13 =	vmul.f32 v13, v1;
	v20 =	vadd.f32 v20, v10;
	v16 =	vadd.f32 v12, v19;
	v10 =	vld [tilespmem:s11+$0x0]  }
0x25: {  	s3 =	sadd.s32 $0xC00, s3;
	s6 =	sor.u32 s28, s31;
	v15 =	vadd.f32 v15, v14;
	v14 =	vadd.f32 v21, v17;
	v12 =	vld [tilespmem:s11+$0x80]  }
0x26: {  	s8 =	sor.u32 s8, s31;
	s7 =	simm.s32 $0x2;
	v13 =	vadd.f32 v13, v18;
	v17 =	vadd.f32 v20, v3;
	s9 =	simm.s32 $0x2;
	[tilespmem:s6+$0x100] =	vst v22  }
.LBB2_1:
0x27: {  	s7 =	sadd.s32 $0x2, s7;
	v18 =	vmul.f32 v11, v2;
	v19 =	vmul.f32 v11, v5;
	s5 =	sadd.s32 $0x20, s5;
	v16 =	vadd.f32 v16, v8  }
0x28: {  	v11 =	vmul.f32 v11, v6;
	v15 =	vadd.f32 v15, v7;
	s10 =	sand.u32 $0x60, s5;
	s11 =	sshll.u32 s7, $0x5;
	p0 =	slt.u32 s7, $0x3E;
	v20 =	vmul.f32 v9, v4;
	[tilespmem:s8+$0x0] =	vst v17  }
0x29: {  	v14 =	vadd.f32 v14, v3;
	s11 =	sand.u32 $0x3FFFFF00, s11;
	s12 =	sor.u32 $0x10, s10;
	v17 =	vmul.f32 v10, v2;
	v21 =	vmul.f32 v10, v5;
	[tilespmem:s8+$0x80] =	vst v16  }
0x2a: {  	s9 =	sshll.u32 s9, $0x6;
	s13 =	sor.u32 s10, s11;
	s11 =	sor.u32 s12, s11;
	v16 =	vmul.f32 v12, v0;
	v22 =	vmul.f32 v12, v1;
	v20 =	vadd.f32 v20, v11;
	[tilespmem:s8+$0x100] =	vst v15  }
.Ltmp0:
0x2b: {  	s8 =	sand.u32 $0x3FFFFE00, s9;
	v15 =	vmul.f32 v10, v6;
	v23 =	vmul.f32 v12, v4;
	v12 =	vadd.f32 v13, v8;
	s9 =	smov.u32 s7;
	v11 =	vld [tilespmem:s11+$0x0];
	[tilespmem:s6+$0x0] =	vst v14;
	(pc) =	sbr.rel @p0 .LBB2_1-.Ltmp0, $4  }
0x2c: {  	v24 =	vmul.f32 v9, v1;
	v13 =	vmul.f32 v9, v0;
	s14 =	sadd.s32 $0x800, s8;
	v9 =	vld [tilespmem:s11+$0x80];
	v20 =	vadd.f32 v20, v7  }
0x2d: {  	v17 =	vadd.f32 v16, v17;
	s8 =	sor.u32 s2, s14;
	v16 =	vadd.f32 v22, v21;
	s2 =	smov.u32 s10;
	v10 =	vld [tilespmem:s13+$0x0];
	[tilespmem:s6+$0x80] =	vst v12;
	s6 =	sor.u32 s4, s14  }
0x2e: {  	v15 =	vadd.f32 v23, v15;
	v14 =	vadd.f32 v13, v18;
	s4 =	smov.u32 s12;
	v12 =	vld [tilespmem:s13+$0x80];
	[tilespmem:s6+$0x100] =	vst v20  }
0x2f: {  	v13 =	vadd.f32 v24, v19;
	v17 =	vadd.f32 v17, v3  }
0x30: {  	v18 =	vmul.f32 v11, v2  }
0x31: {  	v19 =	vmul.f32 v11, v5;
	v16 =	vadd.f32 v16, v8;
	v53 =	vmul.f32 v11, v6  }
0x32: {  	v15 =	vadd.f32 v15, v7;
	v14 =	vadd.f32 v14, v3;
	v20 =	vmul.f32 v9, v4  }
0x33: {  	[tilespmem:s8+$0x0] =	vst v17;
	v60 =	vadd.f32 v13, v8;
	v61 =	vmul.f32 v9, v0;
	v62 =	vmul.f32 v9, v1  }
0x34: {  	s5 =	sshll.u32 s9, $0x6;
	v54 =	vmul.f32 v10, v2;
	v55 =	vmul.f32 v10, v5;
	[tilespmem:s8+$0x80] =	vst v16;
	v11 =	vadd.f32 v20, v53  }
0x35: {  	s5 =	sand.u32 $0x3FFFFE00, s5;
	v58 =	vmul.f32 v10, v6;
	[tilespmem:s8+$0x100] =	vst v15;
	v56 =	vmul.f32 v12, v0;
	v0 =	vadd.f32 v61, v18  }
0x36: {  	[tilespmem:s6+$0x0] =	vst v14;
	s5 =	sadd.s32 $0x800, s5;
	v57 =	vmul.f32 v12, v1;
	v1 =	vadd.f32 v62, v19;
	v11 =	vadd.f32 v11, v7  }
0x37: {  	v59 =	vmul.f32 v12, v4;
	s4 =	sor.u32 s4, s5;
	[tilespmem:s6+$0x80] =	vst v60;
	v2 =	vadd.f32 v56, v54;
	v0 =	vadd.f32 v0, v3  }
0x38: {  	v5 =	vadd.f32 v57, v55;
	v1 =	vadd.f32 v1, v8;
	[tilespmem:s4+$0x100] =	vst v11  }
0x39: {  	v4 =	vadd.f32 v59, v58;
	v2 =	vadd.f32 v2, v3;
	[tilespmem:s4+$0x0] =	vst v0  }
0x3a: {  	s2 =	sor.u32 s2, s5;
	v5 =	vadd.f32 v5, v8;
	[tilespmem:s4+$0x80] =	vst v1  }
0x3b: {  	v63 =	vadd.f32 v4, v7;
	[tilespmem:s2+$0x0] =	vst v2  }
0x3c: {  	s28 =	sshll.u32 s1, $0x9;
	s29 =	simm.s32 $0x0;
	[tilespmem:s2+$0x80] =	vst v5  }
0x3d: {  	s30 =	simm.s32 $0x800;
	s31 =	simm.s32 $0x2;
	[tilespmem:s2+$0x100] =	vst v63;
	s2 =	sadd.s32 s3, s28  }
0x3e: {  	[hbm4b:s2+s29] =	stream.linear.scatter [tilespmem:s30], [sflag:$0x2], $0x1000, $0x38;
	[tilespmem:$0x1880] =	vst v63  }
0x3f: {  	_ =	swait.ge [sflag:s31], $0x1000  }
0x40: {  	[sflag:s31] =	ssyncset.done $0x0  }
0x41: {  	[sflag:s31] =	ssyncadd.s32 $0xFFFFF000  }
0x42: {  	_ =	sfence.sel $0x180000  }
0x43: {  	[bflag:$0x0] =	sbarrier.arrive $0xFFFF  }
0x44: {  	p0 =	sne.s32 s1, $0x0;
	_ =	strace $0x90000047  }
0x45: {  	s0 =	sadd.s32 @!p0 $0x100000, s0;
	[bflag:$0x2] =	sbarrier.arrive $0xFFFF  }
0x46: {  	[sflag:s0] =	ssyncadd.tile.s32 @!p0 $0x1;
	_ =	shalt  }
.Lfunc_end2:
_tile_overlayer_lowered:
.L_overlay_start_2:
0x47: {  	(tag) =	ssettag $0x2  }
0x48: {  	s0 =	rddreg [dreg:$0x0];
	s2 =	stileid.u32  }
0x49: {  	s1 =	rddreg [dreg:$0x1];
	p0 =	sne.s32 s2, $0x0  }
0x4a: {  	s3 =	rddreg [dreg:$0x2];
	[bflag:$0x3] =	sbarrier.arrive $0xFFFF;
	s2 =	simm.s32 @!p0 $0x1C02  }
0x4b: {  	[timem:s3], [sflag:s2] =	dma.local @!p0 [hbm:s0], s1  }
0x4c: {  	s0 =	simm.s32 @!p0 $0x2  }
0x4d: {  	_ =	swait.ge @!p0 [sflag:s0], s1  }
0x4e: {  	s1 =	ssub.s32 @!p0 $0x0, s1;
	[sflag:s0] =	ssyncset.done @!p0 $0x0  }
0x4f: {  	[sflag:s0] =	ssyncadd.s32 @!p0 s1  }
0x50: {  	[bflag:$0x3] =	sbarrier.arrive $0xFFFF  }
0x51: {  	_ =	shalt  }

</sc_bundles>
